<compile_context>
chip_gen: v7x
topology: tpu7x:2x2x1
jax: 0.10.2.dev20260603
libtpu: 0.0.44.dev20260713+nightly
codegen_flags: <defaults>
</compile_context>

<pallas_src>
import functools

import jax
import jax.numpy as jnp
from jax import lax
from jax.experimental import pallas as pl
from jax.experimental.pallas import tpu as pltpu
from jax.experimental.pallas import tpu_sc as plsc

N_TAGS = 1000
EMBED = 128
OUT_H = 16
OUT_W = 16
BATCH = 1024
HW = OUT_H * OUT_W
TC_ROWS = 256


def _sc_gather(table, x):
    n_rows = BATCH - TC_ROWS
    info = plsc.get_sparse_core_info()
    ns = info.num_subcores
    b_per_w = n_rows // ns

    mesh = plsc.VectorSubcoreMesh(
        core_axis_name="c", subcore_axis_name="s", num_cores=1
    )

    @functools.partial(
        pl.kernel,
        mesh=mesh,
        out_type=jax.ShapeDtypeStruct((n_rows, EMBED), jnp.float32),
        scratch_types=[
            pltpu.VMEM((b_per_w,), jnp.int32),
            pltpu.VMEM((b_per_w, EMBED), jnp.float32),
            pltpu.SemaphoreType.DMA,
        ],
    )
    def gather_kernel(table_hbm, idx_hbm, out_hbm, idx_v, rows_v, sem):
        wid = lax.axis_index("s")
        base = wid * b_per_w
        pltpu.sync_copy(idx_hbm.at[pl.ds(TC_ROWS + base, b_per_w)], idx_v)
        pltpu.async_copy(table_hbm.at[idx_v], rows_v, sem).wait()
        pltpu.sync_copy(rows_v, out_hbm.at[pl.ds(base, b_per_w)])

    return gather_kernel(table, x)


def _tc_gather_broadcast_lo(x, table, block_b=32):
    def body(x_ref, table_ref, out_ref):
        i = pl.program_id(0)
        for b in range(block_b):
            idx = x_ref[i * block_b + b]
            row = table_ref[pl.ds(idx, 1), :]
            out_ref[b] = jnp.broadcast_to(row, (HW, EMBED))

    return pl.pallas_call(
        body,
        grid=(TC_ROWS // block_b,),
        in_specs=[
            pl.BlockSpec(memory_space=pltpu.SMEM),
            pl.BlockSpec((N_TAGS, EMBED), lambda i: (0, 0)),
        ],
        out_specs=pl.BlockSpec((block_b, HW, EMBED), lambda i: (i, 0, 0)),
        out_shape=jax.ShapeDtypeStruct((BATCH, HW, EMBED), jnp.float32),
    )(x, table)


def _tc_broadcast_hi(emb_hi, buf, block_b=32):
    n_rows = BATCH - TC_ROWS
    base_blk = TC_ROWS // block_b

    def body(emb_ref, buf_ref, out_ref):
        i = pl.program_id(0)
        rows = emb_ref[pl.ds(i * block_b, block_b), :]
        out_ref[...] = jnp.broadcast_to(rows[:, None, :], (block_b, HW, EMBED))

    return pl.pallas_call(
        body,
        grid=(n_rows // block_b,),
        in_specs=[
            pl.BlockSpec((n_rows, EMBED), lambda i: (0, 0)),
            pl.BlockSpec(memory_space=pl.ANY),
        ],
        out_specs=pl.BlockSpec((block_b, HW, EMBED), lambda i: (base_blk + i, 0, 0)),
        out_shape=jax.ShapeDtypeStruct((BATCH, HW, EMBED), jnp.float32),
        input_output_aliases={1: 0},
    )(emb_hi, buf)


def kernel(x, table):
    emb_hi = _sc_gather(table, x)
    buf = _tc_gather_broadcast_lo(x, table)
    out = _tc_broadcast_hi(emb_hi, buf)
    out = out.reshape(BATCH, OUT_H, OUT_W, EMBED)
    return out.transpose(0, 3, 1, 2)

# --- scband reference (transcript-rebuilt; emitter-appended) ---
"""Pipeline reference for scband-modality-tag-type-net-77257871720694 (READ-ONLY COPY).

The authoritative reference and input builder live on the scoring server;
editing this copy changes nothing except your own understanding.
"""

import jax, jax.numpy as jnp
import numpy as np

N_TAGS = 1000
EMBED = 128
OUT_H = 16
OUT_W = 16
BATCH = 1024


def setup_inputs(seed: int = 0) -> dict:
    key = jax.random.key(seed)
    k1, k2 = jax.random.split(key)
    x = jax.random.randint(k1, (BATCH,), 0, N_TAGS, dtype=jnp.int32)
    table = jax.random.normal(k2, (N_TAGS, EMBED), dtype=jnp.float32)
    return {"x": x, "table": table}


def reference(x, table):
    # Embedding lookup (gather rows of the table)
    out = jnp.take(table, x, axis=0)            # [B, EMBED]
    # unsqueeze(-1).unsqueeze(-1)
    out = out[:, :, None, None]                  # [B, EMBED, 1, 1]
    # repeat((1, 1, out_h, out_w))
    out = jnp.tile(out, (1, 1, OUT_H, OUT_W))    # [B, EMBED, H, W]
    return out

if __name__ == "__main__":
    import jax
    _d = setup_inputs()
    print(jax.jit(kernel)(*tuple(_d.values())))

</pallas_src>

<mosaic_0001>
#map = affine_map<(d0, d1) -> (0, 0)>
#map1 = affine_map<(d0, d1) -> (0)>
module attributes {stable_mosaic.version = 14 : i64} {
  func.func @gather_kernel(%arg0: i32, %arg1: i32, %arg2: memref<1000x128xf32, #tpu.memory_space<hbm>>, %arg3: memref<1024xi32, #tpu.memory_space<hbm>>, %arg4: memref<768x128xf32, #tpu.memory_space<hbm>>, %arg5: memref<48xi32, #tpu.memory_space<vmem>>, %arg6: memref<48x128xf32, #tpu.memory_space<vmem>>, %arg7: memref<!tpu.dma_semaphore, #tpu.memory_space<semaphore_mem>>) attributes {dimension_semantics = [#tpu.dimension_semantics<core_parallel>, #tpu.dimension_semantics<subcore_parallel>], iteration_bounds = array<i64: 1, 16>, scalar_prefetch = 0 : i64, scratch_operands = 3 : i64, tpu.core_type = #tpu.core_type<sc_vector_subcore>, window_params = [{transform_indices = #map}, {transform_indices = #map1}, {transform_indices = #map}]} {
    %mul3A = arith.constant 48 : i32
    %mul3A_0 = arith.muli %arg1, %mul3A : i32
    %add3A = arith.constant 256 : i32
    %add3A_1 = arith.addi %add3A, %mul3A_0 : i32
    "tpu.region"() ({
      %run_scoped3A = tpu.sem_alloc : memref<!tpu.dma_semaphore, #tpu.memory_space<semaphore_mem>>
      %dma_start3A_6 = tpu.memref_slice %arg3[%add3A_1] : memref<1024xi32, #tpu.memory_space<hbm>> -> memref<48xi32, #tpu.memory_space<hbm>>
      %dma_start3A_7 = tpu.memref_slice %arg3[%add3A_1] : memref<1024xi32, #tpu.memory_space<hbm>> -> memref<48xi32, #tpu.memory_space<hbm>>
      tpu.enqueue_dma source(%dma_start3A_7 : memref<48xi32, #tpu.memory_space<hbm>>) target(%arg5 : memref<48xi32, #tpu.memory_space<vmem>>) target_semaphore(%run_scoped3A : memref<!tpu.dma_semaphore, #tpu.memory_space<semaphore_mem>>)
      %dma_wait3A_8 = tpu.memref_slice %arg3[%add3A_1] : memref<1024xi32, #tpu.memory_space<hbm>> -> memref<48xi32, #tpu.memory_space<hbm>>
      %dma_wait3A_9 = tpu.memref_slice %arg3[%add3A_1] : memref<1024xi32, #tpu.memory_space<hbm>> -> memref<48xi32, #tpu.memory_space<hbm>>
      tpu.wait_dma2 semaphore(%run_scoped3A : memref<!tpu.dma_semaphore, #tpu.memory_space<semaphore_mem>>) src(%dma_wait3A_9 : memref<48xi32, #tpu.memory_space<hbm>>) dst(%arg5 : memref<48xi32, #tpu.memory_space<vmem>>)
      tpu.yield
    }) : () -> ()
    %dma_start3A = arith.constant 0 : i32
    %dma_start3A_2 = arith.constant 0 : i32
    %dma_start3A_3 = tpu.memref_slice %arg2[%dma_start3A, %dma_start3A_2] : memref<1000x128xf32, #tpu.memory_space<hbm>> -> memref<1000x128xf32, #tpu.memory_space<hbm>>
    tpu.enqueue_indirect_dma source(%dma_start3A_3 : memref<1000x128xf32, #tpu.memory_space<hbm>>) target(%arg6 : memref<48x128xf32, #tpu.memory_space<vmem>>) offsets(%arg5 : memref<48xi32, #tpu.memory_space<vmem>>) semaphore(%arg7 : memref<!tpu.dma_semaphore, #tpu.memory_space<semaphore_mem>>)
    %dma_wait3A = arith.constant 0 : i32
    %dma_wait3A_4 = arith.constant 0 : i32
    %dma_wait3A_5 = tpu.memref_slice %arg2[%dma_wait3A, %dma_wait3A_4] : memref<1000x128xf32, #tpu.memory_space<hbm>> -> memref<1000x128xf32, #tpu.memory_space<hbm>>
    tpu.wait_indirect_dma semaphore(%arg7 : memref<!tpu.dma_semaphore, #tpu.memory_space<semaphore_mem>>) src(%dma_wait3A_5 : memref<1000x128xf32, #tpu.memory_space<hbm>>) dst(%arg6 : memref<48x128xf32, #tpu.memory_space<vmem>>)
    "tpu.region"() ({
      %run_scoped3A = tpu.sem_alloc : memref<!tpu.dma_semaphore, #tpu.memory_space<semaphore_mem>>
      %dma_start3A_6 = arith.constant 0 : i32
      %dma_start3A_7 = tpu.memref_slice %arg4[%mul3A_0, %dma_start3A_6] : memref<768x128xf32, #tpu.memory_space<hbm>> -> memref<48x128xf32, #tpu.memory_space<hbm>>
      %dma_start3A_8 = arith.constant 0 : i32
      %dma_start3A_9 = tpu.memref_slice %arg4[%mul3A_0, %dma_start3A_8] : memref<768x128xf32, #tpu.memory_space<hbm>> -> memref<48x128xf32, #tpu.memory_space<hbm>>
      tpu.enqueue_dma source(%arg6 : memref<48x128xf32, #tpu.memory_space<vmem>>) target(%dma_start3A_9 : memref<48x128xf32, #tpu.memory_space<hbm>>) target_semaphore(%run_scoped3A : memref<!tpu.dma_semaphore, #tpu.memory_space<semaphore_mem>>)
      %dma_wait3A_10 = arith.constant 0 : i32
      %dma_wait3A_11 = tpu.memref_slice %arg4[%mul3A_0, %dma_wait3A_10] : memref<768x128xf32, #tpu.memory_space<hbm>> -> memref<48x128xf32, #tpu.memory_space<hbm>>
      %dma_wait3A_12 = arith.constant 0 : i32
      %dma_wait3A_13 = tpu.memref_slice %arg4[%mul3A_0, %dma_wait3A_12] : memref<768x128xf32, #tpu.memory_space<hbm>> -> memref<48x128xf32, #tpu.memory_space<hbm>>
      tpu.wait_dma2 semaphore(%run_scoped3A : memref<!tpu.dma_semaphore, #tpu.memory_space<semaphore_mem>>) src(%arg6 : memref<48x128xf32, #tpu.memory_space<vmem>>) dst(%dma_wait3A_13 : memref<48x128xf32, #tpu.memory_space<hbm>>)
      tpu.yield
    }) : () -> ()
    return
  }
}

module attributes {stable_mosaic.version = 14 : i64} {
  func.func @body(%arg0: i32, %arg1: memref<768x128xf32, #tpu.memory_space<vmem>>, %arg2: memref<1024x256x128xf32, #tpu.memory_space<any>>, %arg3: memref<32x256x128xf32, #tpu.memory_space<vmem>>) attributes {dimension_semantics = [#tpu.dimension_semantics<arbitrary>], iteration_bounds = array<i64: 24>, scalar_prefetch = 0 : i64, scratch_operands = 0 : i64, tpu.core_type = #tpu.core_type<tc>, window_params = [{pipeline_mode = #tpu.pipeline_mode<synchronous>, transform_indices = @transform_0, window_bounds = array<i64: 768, 128>}, {}, {transform_indices = @transform_2, window_bounds = array<i64: 32, 256, 128>}]} {
    %mul3A = arith.constant 32 : i32
    %mul3A_0 = arith.muli %arg0, %mul3A : i32
    %get3A = arith.index_cast %mul3A_0 : i32 to index
    %get3A_1 = arith.constant 0 : index
    %get3A_2 = vector.load %arg1[%get3A, %get3A_1] : memref<768x128xf32, #tpu.memory_space<vmem>>, vector<32x128xf32>
    %broadcast_in_dim3A = vector.shape_cast %get3A_2 : vector<32x128xf32> to vector<32x1x128xf32>
    %broadcast_in_dim3A_3 = vector.shape_cast %broadcast_in_dim3A : vector<32x1x128xf32> to vector<32x1x128xf32>
    %broadcast_in_dim3A_4 = vector.broadcast %broadcast_in_dim3A_3 : vector<32x1x128xf32> to vector<32x256x128xf32>
    %swap3A = arith.constant 0 : index
    %swap3A_5 = arith.constant 0 : index
    %swap3A_6 = arith.constant 0 : index
    %swap3A_7 = vector.load %arg3[%swap3A, %swap3A_5, %swap3A_6] : memref<32x256x128xf32, #tpu.memory_space<vmem>>, vector<32x256x128xf32>
    tpu.vector_store %arg3[%swap3A, %swap3A_5, %swap3A_6], %broadcast_in_dim3A_4 {strides = array<i32>} : memref<32x256x128xf32, #tpu.memory_space<vmem>>, vector<32x256x128xf32>,
    return
  }
  func.func @transform_0(%arg0: i32) -> (i32, i32) {
    %c0_i32 = arith.constant 0 : i32
    %c0_i32_0 = arith.constant 0 : i32
    %c0_i32_1 = arith.constant 0 : i32
    return %c0_i32, %c0_i32_0 : i32, i32
  }
  func.func @transform_2(%arg0: i32) -> (i32, i32, i32) {
    %add3A = arith.constant 8 : i32
    %add3A_0 = arith.addi %add3A, %arg0 : i32
    %c0_i32 = arith.constant 0 : i32
    %c0_i32_1 = arith.constant 0 : i32
    %c0_i32_2 = arith.constant 0 : i32
    return %add3A_0, %c0_i32, %c0_i32_1 : i32, i32, i32
  }
}

module attributes {stable_mosaic.version = 14 : i64} {
  func.func @body(%arg0: i32, %arg1: memref<1024xi32, #tpu.memory_space<smem>>, %arg2: memref<1000x128xf32, #tpu.memory_space<vmem>>, %arg3: memref<32x256x128xf32, #tpu.memory_space<vmem>>) attributes {dimension_semantics = [#tpu.dimension_semantics<arbitrary>], iteration_bounds = array<i64: 8>, scalar_prefetch = 0 : i64, scratch_operands = 0 : i64, tpu.core_type = #tpu.core_type<tc>, window_params = [{transform_indices = @transform_0, window_bounds = array<i64: 1024>}, {pipeline_mode = #tpu.pipeline_mode<synchronous>, transform_indices = @transform_1, window_bounds = array<i64: 1000, 128>}, {transform_indices = @transform_2, window_bounds = array<i64: 32, 256, 128>}]} {
    %mul3A = arith.constant 32 : i32
    %mul3A_0 = arith.muli %arg0, %mul3A : i32
    %add3A = arith.constant 0 : i32
    %add3A_1 = arith.addi %mul3A_0, %add3A : i32
    %get3A = arith.index_cast %add3A_1 : i32 to index
    %get3A_2 = memref.load %arg1[%get3A] : memref<1024xi32, #tpu.memory_space<smem>>
    %get3A_3 = arith.index_cast %get3A_2 : i32 to index
    %get3A_4 = arith.constant 0 : index
    %get3A_5 = vector.load %arg2[%get3A_3, %get3A_4] : memref<1000x128xf32, #tpu.memory_space<vmem>>, vector<1x128xf32>
    %broadcast_in_dim3A = vector.shape_cast %get3A_5 : vector<1x128xf32> to vector<1x128xf32>
    %broadcast_in_dim3A_6 = vector.broadcast %broadcast_in_dim3A : vector<1x128xf32> to vector<256x128xf32>
    %swap3A = arith.constant 0 : index
    %swap3A_7 = arith.constant 0 : index
    %swap3A_8 = arith.constant 0 : index
    %swap3A_9 = vector.load %arg3[%swap3A, %swap3A_7, %swap3A_8] : memref<32x256x128xf32, #tpu.memory_space<vmem>>, vector<1x256x128xf32>
    %swap3A_10 = vector.shape_cast %swap3A_9 : vector<1x256x128xf32> to vector<256x128xf32>
    %swap3A_11 = vector.shape_cast %broadcast_in_dim3A_6 : vector<256x128xf32> to vector<1x256x128xf32>
    tpu.vector_store %arg3[%swap3A, %swap3A_7, %swap3A_8], %swap3A_11 {strides = array<i32>} : memref<32x256x128xf32, #tpu.memory_space<vmem>>, vector<1x256x128xf32>,
    %mul3A_12 = arith.constant 32 : i32
    %mul3A_13 = arith.muli %arg0, %mul3A_12 : i32
    %add3A_14 = arith.constant 1 : i32
    %add3A_15 = arith.addi %mul3A_13, %add3A_14 : i32
    %get3A_16 = arith.index_cast %add3A_15 : i32 to index
    %get3A_17 = memref.load %arg1[%get3A_16] : memref<1024xi32, #tpu.memory_space<smem>>
    %get3A_18 = arith.index_cast %get3A_17 : i32 to index
    %get3A_19 = arith.constant 0 : index
    %get3A_20 = vector.load %arg2[%get3A_18, %get3A_19] : memref<1000x128xf32, #tpu.memory_space<vmem>>, vector<1x128xf32>
    %broadcast_in_dim3A_21 = vector.shape_cast %get3A_20 : vector<1x128xf32> to vector<1x128xf32>
    %broadcast_in_dim3A_22 = vector.broadcast %broadcast_in_dim3A_21 : vector<1x128xf32> to vector<256x128xf32>
    %swap3A_23 = arith.constant 1 : index
    %swap3A_24 = arith.constant 0 : index
    %swap3A_25 = arith.constant 0 : index
    %swap3A_26 = vector.load %arg3[%swap3A_23, %swap3A_24, %swap3A_25] : memref<32x256x128xf32, #tpu.memory_space<vmem>>, vector<1x256x128xf32>
    %swap3A_27 = vector.shape_cast %swap3A_26 : vector<1x256x128xf32> to vector<256x128xf32>
    %swap3A_28 = vector.shape_cast %broadcast_in_dim3A_22 : vector<256x128xf32> to vector<1x256x128xf32>
    tpu.vector_store %arg3[%swap3A_23, %swap3A_24, %swap3A_25], %swap3A_28 {strides = array<i32>} : memref<32x256x128xf32, #tpu.memory_space<vmem>>, vector<1x256x128xf32>,
    %mul3A_29 = arith.constant 32 : i32
    %mul3A_30 = arith.muli %arg0, %mul3A_29 : i32
    %add3A_31 = arith.constant 2 : i32
    %add3A_32 = arith.addi %mul3A_30, %add3A_31 : i32
    %get3A_33 = arith.index_cast %add3A_32 : i32 to index
    %get3A_34 = memref.load %arg1[%get3A_33] : memref<1024xi32, #tpu.memory_space<smem>>
    %get3A_35 = arith.index_cast %get3A_34 : i32 to index
    %get3A_36 = arith.constant 0 : index
    %get3A_37 = vector.load %arg2[%get3A_35, %get3A_36] : memref<1000x128xf32, #tpu.memory_space<vmem>>, vector<1x128xf32>
    %broadcast_in_dim3A_38 = vector.shape_cast %get3A_37 : vector<1x128xf32> to vector<1x128xf32>
    %broadcast_in_dim3A_39 = vector.broadcast %broadcast_in_dim3A_38 : vector<1x128xf32> to vector<256x128xf32>
    %swap3A_40 = arith.constant 2 : index
    %swap3A_41 = arith.constant 0 : index
    %swap3A_42 = arith.constant 0 : index
    %swap3A_43 = vector.load %arg3[%swap3A_40, %swap3A_41, %swap3A_42] : memref<32x256x128xf32, #tpu.memory_space<vmem>>, vector<1x256x128xf32>
    %swap3A_44 = vector.shape_cast %swap3A_43 : vector<1x256x128xf32> to vector<256x128xf32>
    %swap3A_45 = vector.shape_cast %broadcast_in_dim3A_39 : vector<256x128xf32> to vector<1x256x128xf32>
    tpu.vector_store %arg3[%swap3A_40, %swap3A_41, %swap3A_42], %swap3A_45 {strides = array<i32>} : memref<32x256x128xf32, #tpu.memory_space<vmem>>, vector<1x256x128xf32>,
    %mul3A_46 = arith.constant 32 : i32
    %mul3A_47 = arith.muli %arg0, %mul3A_46 : i32
    %add3A_48 = arith.constant 3 : i32
    %add3A_49 = arith.addi %mul3A_47, %add3A_48 : i32
    %get3A_50 = arith.index_cast %add3A_49 : i32 to index
    %get3A_51 = memref.load %arg1[%get3A_50] : memref<1024xi32, #tpu.memory_space<smem>>
    %get3A_52 = arith.index_cast %get3A_51 : i32 to index
    %get3A_53 = arith.constant 0 : index
    %get3A_54 = vector.load %arg2[%get3A_52, %get3A_53] : memref<1000x128xf32, #tpu.memory_space<vmem>>, vector<1x128xf32>
    %broadcast_in_dim3A_55 = vector.shape_cast %get3A_54 : vector<1x128xf32> to vector<1x128xf32>
    %broadcast_in_dim3A_56 = vector.broadcast %broadcast_in_dim3A_55 : vector<1x128xf32> to vector<256x128xf32>
    %swap3A_57 = arith.constant 3 : index
    %swap3A_58 = arith.constant 0 : index
    %swap3A_59 = arith.constant 0 : index
    %swap3A_60 = vector.load %arg3[%swap3A_57, %swap3A_58, %swap3A_59] : memref<32x256x128xf32, #tpu.memory_space<vmem>>, vector<1x256x128xf32>
    %swap3A_61 = vector.shape_cast %swap3A_60 : vector<1x256x128xf32> to vector<256x128xf32>
    %swap3A_62 = vector.shape_cast %broadcast_in_dim3A_56 : vector<256x128xf32> to vector<1x256x128xf32>
    tpu.vector_store %arg3[%swap3A_57, %swap3A_58, %swap3A_59], %swap3A_62 {strides = array<i32>} : memref<32x256x128xf32, #tpu.memory_space<vmem>>, vector<1x256x128xf32>,
    %mul3A_63 = arith.constant 32 : i32
    %mul3A_64 = arith.muli %arg0, %mul3A_63 : i32
    %add3A_65 = arith.constant 4 : i32
    %add3A_66 = arith.addi %mul3A_64, %add3A_65 : i32
    %get3A_67 = arith.index_cast %add3A_66 : i32 to index
    %get3A_68 = memref.load %arg1[%get3A_67] : memref<1024xi32, #tpu.memory_space<smem>>
    %get3A_69 = arith.index_cast %get3A_68 : i32 to index
    %get3A_70 = arith.constant 0 : index
    %get3A_71 = vector.load %arg2[%get3A_69, %get3A_70] : memref<1000x128xf32, #tpu.memory_space<vmem>>, vector<1x128xf32>
    %broadcast_in_dim3A_72 = vector.shape_cast %get3A_71 : vector<1x128xf32> to vector<1x128xf32>
    %broadcast_in_dim3A_73 = vector.broadcast %broadcast_in_dim3A_72 : vector<1x128xf32> to vector<256x128xf32>
    %swap3A_74 = arith.constant 4 : index
    %swap3A_75 = arith.constant 0 : index
    %swap3A_76 = arith.constant 0 : index
    %swap3A_77 = vector.load %arg3[%swap3A_74, %swap3A_75, %swap3A_76] : memref<32x256x128xf32, #tpu.memory_space<vmem>>, vector<1x256x128xf32>
    %swap3A_78 = vector.shape_cast %swap3A_77 : vector<1x256x128xf32> to vector<256x128xf32>
    %swap3A_79 = vector.shape_cast %broadcast_in_dim3A_73 : vector<256x128xf32> to vector<1x256x128xf32>
    tpu.vector_store %arg3[%swap3A_74, %swap3A_75, %swap3A_76], %swap3A_79 {strides = array<i32>} : memref<32x256x128xf32, #tpu.memory_space<vmem>>, vector<1x256x128xf32>,
    %mul3A_80 = arith.constant 32 : i32
    %mul3A_81 = arith.muli %arg0, %mul3A_80 : i32
    %add3A_82 = arith.constant 5 : i32
    %add3A_83 = arith.addi %mul3A_81, %add3A_82 : i32
    %get3A_84 = arith.index_cast %add3A_83 : i32 to index
    %get3A_85 = memref.load %arg1[%get3A_84] : memref<1024xi32, #tpu.memory_space<smem>>
    %get3A_86 = arith.index_cast %get3A_85 : i32 to index
    %get3A_87 = arith.constant 0 : index
    %get3A_88 = vector.load %arg2[%get3A_86, %get3A_87] : memref<1000x128xf32, #tpu.memory_space<vmem>>, vector<1x128xf32>
    %broadcast_in_dim3A_89 = vector.shape_cast %get3A_88 : vector<1x128xf32> to vector<1x128xf32>
    %broadcast_in_dim3A_90 = vector.broadcast %broadcast_in_dim3A_89 : vector<1x128xf32> to vector<256x128xf32>
    %swap3A_91 = arith.constant 5 : index
    %swap3A_92 = arith.constant 0 : index
    %swap3A_93 = arith.constant 0 : index
    %swap3A_94 = vector.load %arg3[%swap3A_91, %swap3A_92, %swap3A_93] : memref<32x256x128xf32, #tpu.memory_space<vmem>>, vector<1x256x128xf32>
    %swap3A_95 = vector.shape_cast %swap3A_94 : vector<1x256x128xf32> to vector<256x128xf32>
    %swap3A_96 = vector.shape_cast %broadcast_in_dim3A_90 : vector<256x128xf32> to vector<1x256x128xf32>
    tpu.vector_store %arg3[%swap3A_91, %swap3A_92, %swap3A_93], %swap3A_96 {strides = array<i32>} : memref<32x256x128xf32, #tpu.memory_space<vmem>>, vector<1x256x128xf32>,
    %mul3A_97 = arith.constant 32 : i32
    %mul3A_98 = arith.muli %arg0, %mul3A_97 : i32
    %add3A_99 = arith.constant 6 : i32
    %add3A_100 = arith.addi %mul3A_98, %add3A_99 : i32
    %get3A_101 = arith.index_cast %add3A_100 : i32 to index
    %get3A_102 = memref.load %arg1[%get3A_101] : memref<1024xi32, #tpu.memory_space<smem>>
    %get3A_103 = arith.index_cast %get3A_102 : i32 to index
    %get3A_104 = arith.constant 0 : index
    %get3A_105 = vector.load %arg2[%get3A_103, %get3A_104] : memref<1000x128xf32, #tpu.memory_space<vmem>>, vector<1x128xf32>
    %broadcast_in_dim3A_106 = vector.shape_cast %get3A_105 : vector<1x128xf32> to vector<1x128xf32>
    %broadcast_in_dim3A_107 = vector.broadcast %broadcast_in_dim3A_106 : vector<1x128xf32> to vector<256x128xf32>
    %swap3A_108 = arith.constant 6 : index
    %swap3A_109 = arith.constant 0 : index
    %swap3A_110 = arith.constant 0 : index
    %swap3A_111 = vector.load %arg3[%swap3A_108, %swap3A_109, %swap3A_110] : memref<32x256x128xf32, #tpu.memory_space<vmem>>, vector<1x256x128xf32>
    %swap3A_112 = vector.shape_cast %swap3A_111 : vector<1x256x128xf32> to vector<256x128xf32>
    %swap3A_113 = vector.shape_cast %broadcast_in_dim3A_107 : vector<256x128xf32> to vector<1x256x128xf32>
    tpu.vector_store %arg3[%swap3A_108, %swap3A_109, %swap3A_110], %swap3A_113 {strides = array<i32>} : memref<32x256x128xf32, #tpu.memory_space<vmem>>, vector<1x256x128xf32>,
    %mul3A_114 = arith.constant 32 : i32
    %mul3A_115 = arith.muli %arg0, %mul3A_114 : i32
    %add3A_116 = arith.constant 7 : i32
    %add3A_117 = arith.addi %mul3A_115, %add3A_116 : i32
    %get3A_118 = arith.index_cast %add3A_117 : i32 to index
    %get3A_119 = memref.load %arg1[%get3A_118] : memref<1024xi32, #tpu.memory_space<smem>>
    %get3A_120 = arith.index_cast %get3A_119 : i32 to index
    %get3A_121 = arith.constant 0 : index
    %get3A_122 = vector.load %arg2[%get3A_120, %get3A_121] : memref<1000x128xf32, #tpu.memory_space<vmem>>, vector<1x128xf32>
    %broadcast_in_dim3A_123 = vector.shape_cast %get3A_122 : vector<1x128xf32> to vector<1x128xf32>
    %broadcast_in_dim3A_124 = vector.broadcast %broadcast_in_dim3A_123 : vector<1x128xf32> to vector<256x128xf32>
    %swap3A_125 = arith.constant 7 : index
    %swap3A_126 = arith.constant 0 : index
    %swap3A_127 = arith.constant 0 : index
    %swap3A_128 = vector.load %arg3[%swap3A_125, %swap3A_126, %swap3A_127] : memref<32x256x128xf32, #tpu.memory_space<vmem>>, vector<1x256x128xf32>
    %swap3A_129 = vector.shape_cast %swap3A_128 : vector<1x256x128xf32> to vector<256x128xf32>
    %swap3A_130 = vector.shape_cast %broadcast_in_dim3A_124 : vector<256x128xf32> to vector<1x256x128xf32>
    tpu.vector_store %arg3[%swap3A_125, %swap3A_126, %swap3A_127], %swap3A_130 {strides = array<i32>} : memref<32x256x128xf32, #tpu.memory_space<vmem>>, vector<1x256x128xf32>,
    %mul3A_131 = arith.constant 32 : i32
    %mul3A_132 = arith.muli %arg0, %mul3A_131 : i32
    %add3A_133 = arith.constant 8 : i32
    %add3A_134 = arith.addi %mul3A_132, %add3A_133 : i32
    %get3A_135 = arith.index_cast %add3A_134 : i32 to index
    %get3A_136 = memref.load %arg1[%get3A_135] : memref<1024xi32, #tpu.memory_space<smem>>
    %get3A_137 = arith.index_cast %get3A_136 : i32 to index
    %get3A_138 = arith.constant 0 : index
    %get3A_139 = vector.load %arg2[%get3A_137, %get3A_138] : memref<1000x128xf32, #tpu.memory_space<vmem>>, vector<1x128xf32>
    %broadcast_in_dim3A_140 = vector.shape_cast %get3A_139 : vector<1x128xf32> to vector<1x128xf32>
    %broadcast_in_dim3A_141 = vector.broadcast %broadcast_in_dim3A_140 : vector<1x128xf32> to vector<256x128xf32>
    %swap3A_142 = arith.constant 8 : index
    %swap3A_143 = arith.constant 0 : index
    %swap3A_144 = arith.constant 0 : index
    %swap3A_145 = vector.load %arg3[%swap3A_142, %swap3A_143, %swap3A_144] : memref<32x256x128xf32, #tpu.memory_space<vmem>>, vector<1x256x128xf32>
    %swap3A_146 = vector.shape_cast %swap3A_145 : vector<1x256x128xf32> to vector<256x128xf32>
    %swap3A_147 = vector.shape_cast %broadcast_in_dim3A_141 : vector<256x128xf32> to vector<1x256x128xf32>
    tpu.vector_store %arg3[%swap3A_142, %swap3A_143, %swap3A_144], %swap3A_147 {strides = array<i32>} : memref<32x256x128xf32, #tpu.memory_space<vmem>>, vector<1x256x128xf32>,
    %mul3A_148 = arith.constant 32 : i32
    %mul3A_149 = arith.muli %arg0, %mul3A_148 : i32
    %add3A_150 = arith.constant 9 : i32
    %add3A_151 = arith.addi %mul3A_149, %add3A_150 : i32
    %get3A_152 = arith.index_cast %add3A_151 : i32 to index
    %get3A_153 = memref.load %arg1[%get3A_152] : memref<1024xi32, #tpu.memory_space<smem>>
    %get3A_154 = arith.index_cast %get3A_153 : i32 to index
    %get3A_155 = arith.constant 0 : index
    %get3A_156 = vector.load %arg2[%get3A_154, %get3A_155] : memref<1000x128xf32, #tpu.memory_space<vmem>>, vector<1x128xf32>
    %broadcast_in_dim3A_157 = vector.shape_cast %get3A_156 : vector<1x128xf32> to vector<1x128xf32>
    %broadcast_in_dim3A_158 = vector.broadcast %broadcast_in_dim3A_157 : vector<1x128xf32> to vector<256x128xf32>
    %swap3A_159 = arith.constant 9 : index
    %swap3A_160 = arith.constant 0 : index
    %swap3A_161 = arith.constant 0 : index
    %swap3A_162 = vector.load %arg3[%swap3A_159, %swap3A_160, %swap3A_161] : memref<32x256x128xf32, #tpu.memory_space<vmem>>, vector<1x256x128xf32>
    %swap3A_163 = vector.shape_cast %swap3A_162 : vector<1x256x128xf32> to vector<256x128xf32>
    %swap3A_164 = vector.shape_cast %broadcast_in_dim3A_158 : vector<256x128xf32> to vector<1x256x128xf32>
    tpu.vector_store %arg3[%swap3A_159, %swap3A_160, %swap3A_161], %swap3A_164 {strides = array<i32>} : memref<32x256x128xf32, #tpu.memory_space<vmem>>, vector<1x256x128xf32>,
    %mul3A_165 = arith.constant 32 : i32
    %mul3A_166 = arith.muli %arg0, %mul3A_165 : i32
    %add3A_167 = arith.constant 10 : i32
    %add3A_168 = arith.addi %mul3A_166, %add3A_167 : i32
    %get3A_169 = arith.index_cast %add3A_168 : i32 to index
    %get3A_170 = memref.load %arg1[%get3A_169] : memref<1024xi32, #tpu.memory_space<smem>>
    %get3A_171 = arith.index_cast %get3A_170 : i32 to index
    %get3A_172 = arith.constant 0 : index
    %get3A_173 = vector.load %arg2[%get3A_171, %get3A_172] : memref<1000x128xf32, #tpu.memory_space<vmem>>, vector<1x128xf32>
    %broadcast_in_dim3A_174 = vector.shape_cast %get3A_173 : vector<1x128xf32> to vector<1x128xf32>
    %broadcast_in_dim3A_175 = vector.broadcast %broadcast_in_dim3A_174 : vector<1x128xf32> to vector<256x128xf32>
    %swap3A_176 = arith.constant 10 : index
    %swap3A_177 = arith.constant 0 : index
    %swap3A_178 = arith.constant 0 : index
    %swap3A_179 = vector.load %arg3[%swap3A_176, %swap3A_177, %swap3A_178] : memref<32x256x128xf32, #tpu.memory_space<vmem>>, vector<1x256x128xf32>
    %swap3A_180 = vector.shape_cast %swap3A_179 : vector<1x256x128xf32> to vector<256x128xf32>
    %swap3A_181 = vector.shape_cast %broadcast_in_dim3A_175 : vector<256x128xf32> to vector<1x256x128xf32>
    tpu.vector_store %arg3[%swap3A_176, %swap3A_177, %swap3A_178], %swap3A_181 {strides = array<i32>} : memref<32x256x128xf32, #tpu.memory_space<vmem>>, vector<1x256x128xf32>,
    %mul3A_182 = arith.constant 32 : i32
    %mul3A_183 = arith.muli %arg0, %mul3A_182 : i32
    %add3A_184 = arith.constant 11 : i32
    %add3A_185 = arith.addi %mul3A_183, %add3A_184 : i32
    %get3A_186 = arith.index_cast %add3A_185 : i32 to index
    %get3A_187 = memref.load %arg1[%get3A_186] : memref<1024xi32, #tpu.memory_space<smem>>
    %get3A_188 = arith.index_cast %get3A_187 : i32 to index
    %get3A_189 = arith.constant 0 : index
    %get3A_190 = vector.load %arg2[%get3A_188, %get3A_189] : memref<1000x128xf32, #tpu.memory_space<vmem>>, vector<1x128xf32>
    %broadcast_in_dim3A_191 = vector.shape_cast %get3A_190 : vector<1x128xf32> to vector<1x128xf32>
    %broadcast_in_dim3A_192 = vector.broadcast %broadcast_in_dim3A_191 : vector<1x128xf32> to vector<256x128xf32>
    %swap3A_193 = arith.constant 11 : index
    %swap3A_194 = arith.constant 0 : index
    %swap3A_195 = arith.constant 0 : index
    %swap3A_196 = vector.load %arg3[%swap3A_193, %swap3A_194, %swap3A_195] : memref<32x256x128xf32, #tpu.memory_space<vmem>>, vector<1x256x128xf32>
    %swap3A_197 = vector.shape_cast %swap3A_196 : vector<1x256x128xf32> to vector<256x128xf32>
    %swap3A_198 = vector.shape_cast %broadcast_in_dim3A_192 : vector<256x128xf32> to vector<1x256x128xf32>
    tpu.vector_store %arg3[%swap3A_193, %swap3A_194, %swap3A_195], %swap3A_198 {strides = array<i32>} : memref<32x256x128xf32, #tpu.memory_space<vmem>>, vector<1x256x128xf32>,
    %mul3A_199 = arith.constant 32 : i32
    %mul3A_200 = arith.muli %arg0, %mul3A_199 : i32
    %add3A_201 = arith.constant 12 : i32
    %add3A_202 = arith.addi %mul3A_200, %add3A_201 : i32
    %get3A_203 = arith.index_cast %add3A_202 : i32 to index
    %get3A_204 = memref.load %arg1[%get3A_203] : memref<1024xi32, #tpu.memory_space<smem>>
    %get3A_205 = arith.index_cast %get3A_204 : i32 to index
    %get3A_206 = arith.constant 0 : index
    %get3A_207 = vector.load %arg2[%get3A_205, %get3A_206] : memref<1000x128xf32, #tpu.memory_space<vmem>>, vector<1x128xf32>
    %broadcast_in_dim3A_208 = vector.shape_cast %get3A_207 : vector<1x128xf32> to vector<1x128xf32>
    %broadcast_in_dim3A_209 = vector.broadcast %broadcast_in_dim3A_208 : vector<1x128xf32> to vector<256x128xf32>
    %swap3A_210 = arith.constant 12 : index
    %swap3A_211 = arith.constant 0 : index
    %swap3A_212 = arith.constant 0 : index
    %swap3A_213 = vector.load %arg3[%swap3A_210, %swap3A_211, %swap3A_212] : memref<32x256x128xf32, #tpu.memory_space<vmem>>, vector<1x256x128xf32>
    %swap3A_214 = vector.shape_cast %swap3A_213 : vector<1x256x128xf32> to vector<256x128xf32>
    %swap3A_215 = vector.shape_cast %broadcast_in_dim3A_209 : vector<256x128xf32> to vector<1x256x128xf32>
    tpu.vector_store %arg3[%swap3A_210, %swap3A_211, %swap3A_212], %swap3A_215 {strides = array<i32>} : memref<32x256x128xf32, #tpu.memory_space<vmem>>, vector<1x256x128xf32>,
    %mul3A_216 = arith.constant 32 : i32
    %mul3A_217 = arith.muli %arg0, %mul3A_216 : i32
    %add3A_218 = arith.constant 13 : i32
    %add3A_219 = arith.addi %mul3A_217, %add3A_218 : i32
    %get3A_220 = arith.index_cast %add3A_219 : i32 to index
    %get3A_221 = memref.load %arg1[%get3A_220] : memref<1024xi32, #tpu.memory_space<smem>>
    %get3A_222 = arith.index_cast %get3A_221 : i32 to index
    %get3A_223 = arith.constant 0 : index
    %get3A_224 = vector.load %arg2[%get3A_222, %get3A_223] : memref<1000x128xf32, #tpu.memory_space<vmem>>, vector<1x128xf32>
    %broadcast_in_dim3A_225 = vector.shape_cast %get3A_224 : vector<1x128xf32> to vector<1x128xf32>
    %broadcast_in_dim3A_226 = vector.broadcast %broadcast_in_dim3A_225 : vector<1x128xf32> to vector<256x128xf32>
    %swap3A_227 = arith.constant 13 : index
    %swap3A_228 = arith.constant 0 : index
    %swap3A_229 = arith.constant 0 : index
    %swap3A_230 = vector.load %arg3[%swap3A_227, %swap3A_228, %swap3A_229] : memref<32x256x128xf32, #tpu.memory_space<vmem>>, vector<1x256x128xf32>
    %swap3A_231 = vector.shape_cast %swap3A_230 : vector<1x256x128xf32> to vector<256x128xf32>
    %swap3A_232 = vector.shape_cast %broadcast_in_dim3A_226 : vector<256x128xf32> to vector<1x256x128xf32>
    tpu.vector_store %arg3[%swap3A_227, %swap3A_228, %swap3A_229], %swap3A_232 {strides = array<i32>} : memref<32x256x128xf32, #tpu.memory_space<vmem>>, vector<1x256x128xf32>,
    %mul3A_233 = arith.constant 32 : i32
    %mul3A_234 = arith.muli %arg0, %mul3A_233 : i32
    %add3A_235 = arith.constant 14 : i32
    %add3A_236 = arith.addi %mul3A_234, %add3A_235 : i32
    %get3A_237 = arith.index_cast %add3A_236 : i32 to index
    %get3A_238 = memref.load %arg1[%get3A_237] : memref<1024xi32, #tpu.memory_space<smem>>
    %get3A_239 = arith.index_cast %get3A_238 : i32 to index
    %get3A_240 = arith.constant 0 : index
    %get3A_241 = vector.load %arg2[%get3A_239, %get3A_240] : memref<1000x128xf32, #tpu.memory_space<vmem>>, vector<1x128xf32>
    %broadcast_in_dim3A_242 = vector.shape_cast %get3A_241 : vector<1x128xf32> to vector<1x128xf32>
    %broadcast_in_dim3A_243 = vector.broadcast %broadcast_in_dim3A_242 : vector<1x128xf32> to vector<256x128xf32>
    %swap3A_244 = arith.constant 14 : index
    %swap3A_245 = arith.constant 0 : index
    %swap3A_246 = arith.constant 0 : index
    %swap3A_247 = vector.load %arg3[%swap3A_244, %swap3A_245, %swap3A_246] : memref<32x256x128xf32, #tpu.memory_space<vmem>>, vector<1x256x128xf32>
    %swap3A_248 = vector.shape_cast %swap3A_247 : vector<1x256x128xf32> to vector<256x128xf32>
    %swap3A_249 = vector.shape_cast %broadcast_in_dim3A_243 : vector<256x128xf32> to vector<1x256x128xf32>
    tpu.vector_store %arg3[%swap3A_244, %swap3A_245, %swap3A_246], %swap3A_249 {strides = array<i32>} : memref<32x256x128xf32, #tpu.memory_space<vmem>>, vector<1x256x128xf32>,
    %mul3A_250 = arith.constant 32 : i32
    %mul3A_251 = arith.muli %arg0, %mul3A_250 : i32
    %add3A_252 = arith.constant 15 : i32
    %add3A_253 = arith.addi %mul3A_251, %add3A_252 : i32
    %get3A_254 = arith.index_cast %add3A_253 : i32 to index
    %get3A_255 = memref.load %arg1[%get3A_254] : memref<1024xi32, #tpu.memory_space<smem>>
    %get3A_256 = arith.index_cast %get3A_255 : i32 to index
    %get3A_257 = arith.constant 0 : index
    %get3A_258 = vector.load %arg2[%get3A_256, %get3A_257] : memref<1000x128xf32, #tpu.memory_space<vmem>>, vector<1x128xf32>
    %broadcast_in_dim3A_259 = vector.shape_cast %get3A_258 : vector<1x128xf32> to vector<1x128xf32>
    %broadcast_in_dim3A_260 = vector.broadcast %broadcast_in_dim3A_259 : vector<1x128xf32> to vector<256x128xf32>
    %swap3A_261 = arith.constant 15 : index
    %swap3A_262 = arith.constant 0 : index
    %swap3A_263 = arith.constant 0 : index
    %swap3A_264 = vector.load %arg3[%swap3A_261, %swap3A_262, %swap3A_263] : memref<32x256x128xf32, #tpu.memory_space<vmem>>, vector<1x256x128xf32>
    %swap3A_265 = vector.shape_cast %swap3A_264 : vector<1x256x128xf32> to vector<256x128xf32>
    %swap3A_266 = vector.shape_cast %broadcast_in_dim3A_260 : vector<256x128xf32> to vector<1x256x128xf32>
    tpu.vector_store %arg3[%swap3A_261, %swap3A_262, %swap3A_263], %swap3A_266 {strides = array<i32>} : memref<32x256x128xf32, #tpu.memory_space<vmem>>, vector<1x256x128xf32>,
    %mul3A_267 = arith.constant 32 : i32
    %mul3A_268 = arith.muli %arg0, %mul3A_267 : i32
    %add3A_269 = arith.constant 16 : i32
    %add3A_270 = arith.addi %mul3A_268, %add3A_269 : i32
    %get3A_271 = arith.index_cast %add3A_270 : i32 to index
    %get3A_272 = memref.load %arg1[%get3A_271] : memref<1024xi32, #tpu.memory_space<smem>>
    %get3A_273 = arith.index_cast %get3A_272 : i32 to index
    %get3A_274 = arith.constant 0 : index
    %get3A_275 = vector.load %arg2[%get3A_273, %get3A_274] : memref<1000x128xf32, #tpu.memory_space<vmem>>, vector<1x128xf32>
    %broadcast_in_dim3A_276 = vector.shape_cast %get3A_275 : vector<1x128xf32> to vector<1x128xf32>
    %broadcast_in_dim3A_277 = vector.broadcast %broadcast_in_dim3A_276 : vector<1x128xf32> to vector<256x128xf32>
    %swap3A_278 = arith.constant 16 : index
    %swap3A_279 = arith.constant 0 : index
    %swap3A_280 = arith.constant 0 : index
    %swap3A_281 = vector.load %arg3[%swap3A_278, %swap3A_279, %swap3A_280] : memref<32x256x128xf32, #tpu.memory_space<vmem>>, vector<1x256x128xf32>
    %swap3A_282 = vector.shape_cast %swap3A_281 : vector<1x256x128xf32> to vector<256x128xf32>
    %swap3A_283 = vector.shape_cast %broadcast_in_dim3A_277 : vector<256x128xf32> to vector<1x256x128xf32>
    tpu.vector_store %arg3[%swap3A_278, %swap3A_279, %swap3A_280], %swap3A_283 {strides = array<i32>} : memref<32x256x128xf32, #tpu.memory_space<vmem>>, vector<1x256x128xf32>,
    %mul3A_284 = arith.constant 32 : i32
    %mul3A_285 = arith.muli %arg0, %mul3A_284 : i32
    %add3A_286 = arith.constant 17 : i32
    %add3A_287 = arith.addi %mul3A_285, %add3A_286 : i32
    %get3A_288 = arith.index_cast %add3A_287 : i32 to index
    %get3A_289 = memref.load %arg1[%get3A_288] : memref<1024xi32, #tpu.memory_space<smem>>
    %get3A_290 = arith.index_cast %get3A_289 : i32 to index
    %get3A_291 = arith.constant 0 : index
    %get3A_292 = vector.load %arg2[%get3A_290, %get3A_291] : memref<1000x128xf32, #tpu.memory_space<vmem>>, vector<1x128xf32>
    %broadcast_in_dim3A_293 = vector.shape_cast %get3A_292 : vector<1x128xf32> to vector<1x128xf32>
    %broadcast_in_dim3A_294 = vector.broadcast %broadcast_in_dim3A_293 : vector<1x128xf32> to vector<256x128xf32>
    %swap3A_295 = arith.constant 17 : index
    %swap3A_296 = arith.constant 0 : index
    %swap3A_297 = arith.constant 0 : index
    %swap3A_298 = vector.load %arg3[%swap3A_295, %swap3A_296, %swap3A_297] : memref<32x256x128xf32, #tpu.memory_space<vmem>>, vector<1x256x128xf32>
    %swap3A_299 = vector.shape_cast %swap3A_298 : vector<1x256x128xf32> to vector<256x128xf32>
    %swap3A_300 = vector.shape_cast %broadcast_in_dim3A_294 : vector<256x128xf32> to vector<1x256x128xf32>
    tpu.vector_store %arg3[%swap3A_295, %swap3A_296, %swap3A_297], %swap3A_300 {strides = array<i32>} : memref<32x256x128xf32, #tpu.memory_space<vmem>>, vector<1x256x128xf32>,
    %mul3A_301 = arith.constant 32 : i32
    %mul3A_302 = arith.muli %arg0, %mul3A_301 : i32
    %add3A_303 = arith.constant 18 : i32
    %add3A_304 = arith.addi %mul3A_302, %add3A_303 : i32
    %get3A_305 = arith.index_cast %add3A_304 : i32 to index
    %get3A_306 = memref.load %arg1[%get3A_305] : memref<1024xi32, #tpu.memory_space<smem>>
    %get3A_307 = arith.index_cast %get3A_306 : i32 to index
    %get3A_308 = arith.constant 0 : index
    %get3A_309 = vector.load %arg2[%get3A_307, %get3A_308] : memref<1000x128xf32, #tpu.memory_space<vmem>>, vector<1x128xf32>
    %broadcast_in_dim3A_310 = vector.shape_cast %get3A_309 : vector<1x128xf32> to vector<1x128xf32>
    %broadcast_in_dim3A_311 = vector.broadcast %broadcast_in_dim3A_310 : vector<1x128xf32> to vector<256x128xf32>
    %swap3A_312 = arith.constant 18 : index
    %swap3A_313 = arith.constant 0 : index
    %swap3A_314 = arith.constant 0 : index
    %swap3A_315 = vector.load %arg3[%swap3A_312, %swap3A_313, %swap3A_314] : memref<32x256x128xf32, #tpu.memory_space<vmem>>, vector<1x256x128xf32>
    %swap3A_316 = vector.shape_cast %swap3A_315 : vector<1x256x128xf32> to vector<256x128xf32>
    %swap3A_317 = vector.shape_cast %broadcast_in_dim3A_311 : vector<256x128xf32> to vector<1x256x128xf32>
    tpu.vector_store %arg3[%swap3A_312, %swap3A_313, %swap3A_314], %swap3A_317 {strides = array<i32>} : memref<32x256x128xf32, #tpu.memory_space<vmem>>, vector<1x256x128xf32>,
    %mul3A_318 = arith.constant 32 : i32
    %mul3A_319 = arith.muli %arg0, %mul3A_318 : i32
    %add3A_320 = arith.constant 19 : i32
    %add3A_321 = arith.addi %mul3A_319, %add3A_320 : i32
    %get3A_322 = arith.index_cast %add3A_321 : i32 to index
    %get3A_323 = memref.load %arg1[%get3A_322] : memref<1024xi32, #tpu.memory_space<smem>>
    %get3A_324 = arith.index_cast %get3A_323 : i32 to index
    %get3A_325 = arith.constant 0 : index
    %get3A_326 = vector.load %arg2[%get3A_324, %get3A_325] : memref<1000x128xf32, #tpu.memory_space<vmem>>, vector<1x128xf32>
    %broadcast_in_dim3A_327 = vector.shape_cast %get3A_326 : vector<1x128xf32> to vector<1x128xf32>
    %broadcast_in_dim3A_328 = vector.broadcast %broadcast_in_dim3A_327 : vector<1x128xf32> to vector<256x128xf32>
    %swap3A_329 = arith.constant 19 : index
    %swap3A_330 = arith.constant 0 : index
    %swap3A_331 = arith.constant 0 : index
    %swap3A_332 = vector.load %arg3[%swap3A_329, %swap3A_330, %swap3A_331] : memref<32x256x128xf32, #tpu.memory_space<vmem>>, vector<1x256x128xf32>
    %swap3A_333 = vector.shape_cast %swap3A_332 : vector<1x256x128xf32> to vector<256x128xf32>
    %swap3A_334 = vector.shape_cast %broadcast_in_dim3A_328 : vector<256x128xf32> to vector<1x256x128xf32>
    tpu.vector_store %arg3[%swap3A_329, %swap3A_330, %swap3A_331], %swap3A_334 {strides = array<i32>} : memref<32x256x128xf32, #tpu.memory_space<vmem>>, vector<1x256x128xf32>,
    %mul3A_335 = arith.constant 32 : i32
    %mul3A_336 = arith.muli %arg0, %mul3A_335 : i32
    %add3A_337 = arith.constant 20 : i32
    %add3A_338 = arith.addi %mul3A_336, %add3A_337 : i32
    %get3A_339 = arith.index_cast %add3A_338 : i32 to index
    %get3A_340 = memref.load %arg1[%get3A_339] : memref<1024xi32, #tpu.memory_space<smem>>
    %get3A_341 = arith.index_cast %get3A_340 : i32 to index
    %get3A_342 = arith.constant 0 : index
    %get3A_343 = vector.load %arg2[%get3A_341, %get3A_342] : memref<1000x128xf32, #tpu.memory_space<vmem>>, vector<1x128xf32>
    %broadcast_in_dim3A_344 = vector.shape_cast %get3A_343 : vector<1x128xf32> to vector<1x128xf32>
    %broadcast_in_dim3A_345 = vector.broadcast %broadcast_in_dim3A_344 : vector<1x128xf32> to vector<256x128xf32>
    %swap3A_346 = arith.constant 20 : index
    %swap3A_347 = arith.constant 0 : index
    %swap3A_348 = arith.constant 0 : index
    %swap3A_349 = vector.load %arg3[%swap3A_346, %swap3A_347, %swap3A_348] : memref<32x256x128xf32, #tpu.memory_space<vmem>>, vector<1x256x128xf32>
    %swap3A_350 = vector.shape_cast %swap3A_349 : vector<1x256x128xf32> to vector<256x128xf32>
    %swap3A_351 = vector.shape_cast %broadcast_in_dim3A_345 : vector<256x128xf32> to vector<1x256x128xf32>
    tpu.vector_store %arg3[%swap3A_346, %swap3A_347, %swap3A_348], %swap3A_351 {strides = array<i32>} : memref<32x256x128xf32, #tpu.memory_space<vmem>>, vector<1x256x128xf32>,
    %mul3A_352 = arith.constant 32 : i32
    %mul3A_353 = arith.muli %arg0, %mul3A_352 : i32
    %add3A_354 = arith.constant 21 : i32
    %add3A_355 = arith.addi %mul3A_353, %add3A_354 : i32
    %get3A_356 = arith.index_cast %add3A_355 : i32 to index
    %get3A_357 = memref.load %arg1[%get3A_356] : memref<1024xi32, #tpu.memory_space<smem>>
    %get3A_358 = arith.index_cast %get3A_357 : i32 to index
    %get3A_359 = arith.constant 0 : index
    %get3A_360 = vector.load %arg2[%get3A_358, %get3A_359] : memref<1000x128xf32, #tpu.memory_space<vmem>>, vector<1x128xf32>
    %broadcast_in_dim3A_361 = vector.shape_cast %get3A_360 : vector<1x128xf32> to vector<1x128xf32>
    %broadcast_in_dim3A_362 = vector.broadcast %broadcast_in_dim3A_361 : vector<1x128xf32> to vector<256x128xf32>
    %swap3A_363 = arith.constant 21 : index
    %swap3A_364 = arith.constant 0 : index
    %swap3A_365 = arith.constant 0 : index
    %swap3A_366 = vector.load %arg3[%swap3A_363, %swap3A_364, %swap3A_365] : memref<32x256x128xf32, #tpu.memory_space<vmem>>, vector<1x256x128xf32>
    %swap3A_367 = vector.shape_cast %swap3A_366 : vector<1x256x128xf32> to vector<256x128xf32>
    %swap3A_368 = vector.shape_cast %broadcast_in_dim3A_362 : vector<256x128xf32> to vector<1x256x128xf32>
    tpu.vector_store %arg3[%swap3A_363, %swap3A_364, %swap3A_365], %swap3A_368 {strides = array<i32>} : memref<32x256x128xf32, #tpu.memory_space<vmem>>, vector<1x256x128xf32>,
    %mul3A_369 = arith.constant 32 : i32
    %mul3A_370 = arith.muli %arg0, %mul3A_369 : i32
    %add3A_371 = arith.constant 22 : i32
    %add3A_372 = arith.addi %mul3A_370, %add3A_371 : i32
    %get3A_373 = arith.index_cast %add3A_372 : i32 to index
    %get3A_374 = memref.load %arg1[%get3A_373] : memref<1024xi32, #tpu.memory_space<smem>>
    %get3A_375 = arith.index_cast %get3A_374 : i32 to index
    %get3A_376 = arith.constant 0 : index
    %get3A_377 = vector.load %arg2[%get3A_375, %get3A_376] : memref<1000x128xf32, #tpu.memory_space<vmem>>, vector<1x128xf32>
    %broadcast_in_dim3A_378 = vector.shape_cast %get3A_377 : vector<1x128xf32> to vector<1x128xf32>
    %broadcast_in_dim3A_379 = vector.broadcast %broadcast_in_dim3A_378 : vector<1x128xf32> to vector<256x128xf32>
    %swap3A_380 = arith.constant 22 : index
    %swap3A_381 = arith.constant 0 : index
    %swap3A_382 = arith.constant 0 : index
    %swap3A_383 = vector.load %arg3[%swap3A_380, %swap3A_381, %swap3A_382] : memref<32x256x128xf32, #tpu.memory_space<vmem>>, vector<1x256x128xf32>
    %swap3A_384 = vector.shape_cast %swap3A_383 : vector<1x256x128xf32> to vector<256x128xf32>
    %swap3A_385 = vector.shape_cast %broadcast_in_dim3A_379 : vector<256x128xf32> to vector<1x256x128xf32>
    tpu.vector_store %arg3[%swap3A_380, %swap3A_381, %swap3A_382], %swap3A_385 {strides = array<i32>} : memref<32x256x128xf32, #tpu.memory_space<vmem>>, vector<1x256x128xf32>,
    %mul3A_386 = arith.constant 32 : i32
    %mul3A_387 = arith.muli %arg0, %mul3A_386 : i32
    %add3A_388 = arith.constant 23 : i32
    %add3A_389 = arith.addi %mul3A_387, %add3A_388 : i32
    %get3A_390 = arith.index_cast %add3A_389 : i32 to index
    %get3A_391 = memref.load %arg1[%get3A_390] : memref<1024xi32, #tpu.memory_space<smem>>
    %get3A_392 = arith.index_cast %get3A_391 : i32 to index
    %get3A_393 = arith.constant 0 : index
    %get3A_394 = vector.load %arg2[%get3A_392, %get3A_393] : memref<1000x128xf32, #tpu.memory_space<vmem>>, vector<1x128xf32>
    %broadcast_in_dim3A_395 = vector.shape_cast %get3A_394 : vector<1x128xf32> to vector<1x128xf32>
    %broadcast_in_dim3A_396 = vector.broadcast %broadcast_in_dim3A_395 : vector<1x128xf32> to vector<256x128xf32>
    %swap3A_397 = arith.constant 23 : index
    %swap3A_398 = arith.constant 0 : index
    %swap3A_399 = arith.constant 0 : index
    %swap3A_400 = vector.load %arg3[%swap3A_397, %swap3A_398, %swap3A_399] : memref<32x256x128xf32, #tpu.memory_space<vmem>>, vector<1x256x128xf32>
    %swap3A_401 = vector.shape_cast %swap3A_400 : vector<1x256x128xf32> to vector<256x128xf32>
    %swap3A_402 = vector.shape_cast %broadcast_in_dim3A_396 : vector<256x128xf32> to vector<1x256x128xf32>
    tpu.vector_store %arg3[%swap3A_397, %swap3A_398, %swap3A_399], %swap3A_402 {strides = array<i32>} : memref<32x256x128xf32, #tpu.memory_space<vmem>>, vector<1x256x128xf32>,
    %mul3A_403 = arith.constant 32 : i32
    %mul3A_404 = arith.muli %arg0, %mul3A_403 : i32
    %add3A_405 = arith.constant 24 : i32
    %add3A_406 = arith.addi %mul3A_404, %add3A_405 : i32
    %get3A_407 = arith.index_cast %add3A_406 : i32 to index
    %get3A_408 = memref.load %arg1[%get3A_407] : memref<1024xi32, #tpu.memory_space<smem>>
    %get3A_409 = arith.index_cast %get3A_408 : i32 to index
    %get3A_410 = arith.constant 0 : index
    %get3A_411 = vector.load %arg2[%get3A_409, %get3A_410] : memref<1000x128xf32, #tpu.memory_space<vmem>>, vector<1x128xf32>
    %broadcast_in_dim3A_412 = vector.shape_cast %get3A_411 : vector<1x128xf32> to vector<1x128xf32>
    %broadcast_in_dim3A_413 = vector.broadcast %broadcast_in_dim3A_412 : vector<1x128xf32> to vector<256x128xf32>
    %swap3A_414 = arith.constant 24 : index
    %swap3A_415 = arith.constant 0 : index
    %swap3A_416 = arith.constant 0 : index
    %swap3A_417 = vector.load %arg3[%swap3A_414, %swap3A_415, %swap3A_416] : memref<32x256x128xf32, #tpu.memory_space<vmem>>, vector<1x256x128xf32>
    %swap3A_418 = vector.shape_cast %swap3A_417 : vector<1x256x128xf32> to vector<256x128xf32>
    %swap3A_419 = vector.shape_cast %broadcast_in_dim3A_413 : vector<256x128xf32> to vector<1x256x128xf32>
    tpu.vector_store %arg3[%swap3A_414, %swap3A_415, %swap3A_416], %swap3A_419 {strides = array<i32>} : memref<32x256x128xf32, #tpu.memory_space<vmem>>, vector<1x256x128xf32>,
    %mul3A_420 = arith.constant 32 : i32
    %mul3A_421 = arith.muli %arg0, %mul3A_420 : i32
    %add3A_422 = arith.constant 25 : i32
    %add3A_423 = arith.addi %mul3A_421, %add3A_422 : i32
    %get3A_424 = arith.index_cast %add3A_423 : i32 to index
    %get3A_425 = memref.load %arg1[%get3A_424] : memref<1024xi32, #tpu.memory_space<smem>>
    %get3A_426 = arith.index_cast %get3A_425 : i32 to index
    %get3A_427 = arith.constant 0 : index
    %get3A_428 = vector.load %arg2[%get3A_426, %get3A_427] : memref<1000x128xf32, #tpu.memory_space<vmem>>, vector<1x128xf32>
    %broadcast_in_dim3A_429 = vector.shape_cast %get3A_428 : vector<1x128xf32> to vector<1x128xf32>
    %broadcast_in_dim3A_430 = vector.broadcast %broadcast_in_dim3A_429 : vector<1x128xf32> to vector<256x128xf32>
    %swap3A_431 = arith.constant 25 : index
    %swap3A_432 = arith.constant 0 : index
    %swap3A_433 = arith.constant 0 : index
    %swap3A_434 = vector.load %arg3[%swap3A_431, %swap3A_432, %swap3A_433] : memref<32x256x128xf32, #tpu.memory_space<vmem>>, vector<1x256x128xf32>
    %swap3A_435 = vector.shape_cast %swap3A_434 : vector<1x256x128xf32> to vector<256x128xf32>
    %swap3A_436 = vector.shape_cast %broadcast_in_dim3A_430 : vector<256x128xf32> to vector<1x256x128xf32>
    tpu.vector_store %arg3[%swap3A_431, %swap3A_432, %swap3A_433], %swap3A_436 {strides = array<i32>} : memref<32x256x128xf32, #tpu.memory_space<vmem>>, vector<1x256x128xf32>,
    %mul3A_437 = arith.constant 32 : i32
    %mul3A_438 = arith.muli %arg0, %mul3A_437 : i32
    %add3A_439 = arith.constant 26 : i32
    %add3A_440 = arith.addi %mul3A_438, %add3A_439 : i32
    %get3A_441 = arith.index_cast %add3A_440 : i32 to index
    %get3A_442 = memref.load %arg1[%get3A_441] : memref<1024xi32, #tpu.memory_space<smem>>
    %get3A_443 = arith.index_cast %get3A_442 : i32 to index
    %get3A_444 = arith.constant 0 : index
    %get3A_445 = vector.load %arg2[%get3A_443, %get3A_444] : memref<1000x128xf32, #tpu.memory_space<vmem>>, vector<1x128xf32>
    %broadcast_in_dim3A_446 = vector.shape_cast %get3A_445 : vector<1x128xf32> to vector<1x128xf32>
    %broadcast_in_dim3A_447 = vector.broadcast %broadcast_in_dim3A_446 : vector<1x128xf32> to vector<256x128xf32>
    %swap3A_448 = arith.constant 26 : index
    %swap3A_449 = arith.constant 0 : index
    %swap3A_450 = arith.constant 0 : index
    %swap3A_451 = vector.load %arg3[%swap3A_448, %swap3A_449, %swap3A_450] : memref<32x256x128xf32, #tpu.memory_space<vmem>>, vector<1x256x128xf32>
    %swap3A_452 = vector.shape_cast %swap3A_451 : vector<1x256x128xf32> to vector<256x128xf32>
    %swap3A_453 = vector.shape_cast %broadcast_in_dim3A_447 : vector<256x128xf32> to vector<1x256x128xf32>
    tpu.vector_store %arg3[%swap3A_448, %swap3A_449, %swap3A_450], %swap3A_453 {strides = array<i32>} : memref<32x256x128xf32, #tpu.memory_space<vmem>>, vector<1x256x128xf32>,
    %mul3A_454 = arith.constant 32 : i32
    %mul3A_455 = arith.muli %arg0, %mul3A_454 : i32
    %add3A_456 = arith.constant 27 : i32
    %add3A_457 = arith.addi %mul3A_455, %add3A_456 : i32
    %get3A_458 = arith.index_cast %add3A_457 : i32 to index
    %get3A_459 = memref.load %arg1[%get3A_458] : memref<1024xi32, #tpu.memory_space<smem>>
    %get3A_460 = arith.index_cast %get3A_459 : i32 to index
    %get3A_461 = arith.constant 0 : index
    %get3A_462 = vector.load %arg2[%get3A_460, %get3A_461] : memref<1000x128xf32, #tpu.memory_space<vmem>>, vector<1x128xf32>
    %broadcast_in_dim3A_463 = vector.shape_cast %get3A_462 : vector<1x128xf32> to vector<1x128xf32>
    %broadcast_in_dim3A_464 = vector.broadcast %broadcast_in_dim3A_463 : vector<1x128xf32> to vector<256x128xf32>
    %swap3A_465 = arith.constant 27 : index
    %swap3A_466 = arith.constant 0 : index
    %swap3A_467 = arith.constant 0 : index
    %swap3A_468 = vector.load %arg3[%swap3A_465, %swap3A_466, %swap3A_467] : memref<32x256x128xf32, #tpu.memory_space<vmem>>, vector<1x256x128xf32>
    %swap3A_469 = vector.shape_cast %swap3A_468 : vector<1x256x128xf32> to vector<256x128xf32>
    %swap3A_470 = vector.shape_cast %broadcast_in_dim3A_464 : vector<256x128xf32> to vector<1x256x128xf32>
    tpu.vector_store %arg3[%swap3A_465, %swap3A_466, %swap3A_467], %swap3A_470 {strides = array<i32>} : memref<32x256x128xf32, #tpu.memory_space<vmem>>, vector<1x256x128xf32>,
    %mul3A_471 = arith.constant 32 : i32
    %mul3A_472 = arith.muli %arg0, %mul3A_471 : i32
    %add3A_473 = arith.constant 28 : i32
    %add3A_474 = arith.addi %mul3A_472, %add3A_473 : i32
    %get3A_475 = arith.index_cast %add3A_474 : i32 to index
    %get3A_476 = memref.load %arg1[%get3A_475] : memref<1024xi32, #tpu.memory_space<smem>>
    %get3A_477 = arith.index_cast %get3A_476 : i32 to index
    %get3A_478 = arith.constant 0 : index
    %get3A_479 = vector.load %arg2[%get3A_477, %get3A_478] : memref<1000x128xf32, #tpu.memory_space<vmem>>, vector<1x128xf32>
    %broadcast_in_dim3A_480 = vector.shape_cast %get3A_479 : vector<1x128xf32> to vector<1x128xf32>
    %broadcast_in_dim3A_481 = vector.broadcast %broadcast_in_dim3A_480 : vector<1x128xf32> to vector<256x128xf32>
    %swap3A_482 = arith.constant 28 : index
    %swap3A_483 = arith.constant 0 : index
    %swap3A_484 = arith.constant 0 : index
    %swap3A_485 = vector.load %arg3[%swap3A_482, %swap3A_483, %swap3A_484] : memref<32x256x128xf32, #tpu.memory_space<vmem>>, vector<1x256x128xf32>
    %swap3A_486 = vector.shape_cast %swap3A_485 : vector<1x256x128xf32> to vector<256x128xf32>
    %swap3A_487 = vector.shape_cast %broadcast_in_dim3A_481 : vector<256x128xf32> to vector<1x256x128xf32>
    tpu.vector_store %arg3[%swap3A_482, %swap3A_483, %swap3A_484], %swap3A_487 {strides = array<i32>} : memref<32x256x128xf32, #tpu.memory_space<vmem>>, vector<1x256x128xf32>,
    %mul3A_488 = arith.constant 32 : i32
    %mul3A_489 = arith.muli %arg0, %mul3A_488 : i32
    %add3A_490 = arith.constant 29 : i32
    %add3A_491 = arith.addi %mul3A_489, %add3A_490 : i32
    %get3A_492 = arith.index_cast %add3A_491 : i32 to index
    %get3A_493 = memref.load %arg1[%get3A_492] : memref<1024xi32, #tpu.memory_space<smem>>
    %get3A_494 = arith.index_cast %get3A_493 : i32 to index
    %get3A_495 = arith.constant 0 : index
    %get3A_496 = vector.load %arg2[%get3A_494, %get3A_495] : memref<1000x128xf32, #tpu.memory_space<vmem>>, vector<1x128xf32>
    %broadcast_in_dim3A_497 = vector.shape_cast %get3A_496 : vector<1x128xf32> to vector<1x128xf32>
    %broadcast_in_dim3A_498 = vector.broadcast %broadcast_in_dim3A_497 : vector<1x128xf32> to vector<256x128xf32>
    %swap3A_499 = arith.constant 29 : index
    %swap3A_500 = arith.constant 0 : index
    %swap3A_501 = arith.constant 0 : index
    %swap3A_502 = vector.load %arg3[%swap3A_499, %swap3A_500, %swap3A_501] : memref<32x256x128xf32, #tpu.memory_space<vmem>>, vector<1x256x128xf32>
    %swap3A_503 = vector.shape_cast %swap3A_502 : vector<1x256x128xf32> to vector<256x128xf32>
    %swap3A_504 = vector.shape_cast %broadcast_in_dim3A_498 : vector<256x128xf32> to vector<1x256x128xf32>
    tpu.vector_store %arg3[%swap3A_499, %swap3A_500, %swap3A_501], %swap3A_504 {strides = array<i32>} : memref<32x256x128xf32, #tpu.memory_space<vmem>>, vector<1x256x128xf32>,
    %mul3A_505 = arith.constant 32 : i32
    %mul3A_506 = arith.muli %arg0, %mul3A_505 : i32
    %add3A_507 = arith.constant 30 : i32
    %add3A_508 = arith.addi %mul3A_506, %add3A_507 : i32
    %get3A_509 = arith.index_cast %add3A_508 : i32 to index
    %get3A_510 = memref.load %arg1[%get3A_509] : memref<1024xi32, #tpu.memory_space<smem>>
    %get3A_511 = arith.index_cast %get3A_510 : i32 to index
    %get3A_512 = arith.constant 0 : index
    %get3A_513 = vector.load %arg2[%get3A_511, %get3A_512] : memref<1000x128xf32, #tpu.memory_space<vmem>>, vector<1x128xf32>
    %broadcast_in_dim3A_514 = vector.shape_cast %get3A_513 : vector<1x128xf32> to vector<1x128xf32>
    %broadcast_in_dim3A_515 = vector.broadcast %broadcast_in_dim3A_514 : vector<1x128xf32> to vector<256x128xf32>
    %swap3A_516 = arith.constant 30 : index
    %swap3A_517 = arith.constant 0 : index
    %swap3A_518 = arith.constant 0 : index
    %swap3A_519 = vector.load %arg3[%swap3A_516, %swap3A_517, %swap3A_518] : memref<32x256x128xf32, #tpu.memory_space<vmem>>, vector<1x256x128xf32>
    %swap3A_520 = vector.shape_cast %swap3A_519 : vector<1x256x128xf32> to vector<256x128xf32>
    %swap3A_521 = vector.shape_cast %broadcast_in_dim3A_515 : vector<256x128xf32> to vector<1x256x128xf32>
    tpu.vector_store %arg3[%swap3A_516, %swap3A_517, %swap3A_518], %swap3A_521 {strides = array<i32>} : memref<32x256x128xf32, #tpu.memory_space<vmem>>, vector<1x256x128xf32>,
    %mul3A_522 = arith.constant 32 : i32
    %mul3A_523 = arith.muli %arg0, %mul3A_522 : i32
    %add3A_524 = arith.constant 31 : i32
    %add3A_525 = arith.addi %mul3A_523, %add3A_524 : i32
    %get3A_526 = arith.index_cast %add3A_525 : i32 to index
    %get3A_527 = memref.load %arg1[%get3A_526] : memref<1024xi32, #tpu.memory_space<smem>>
    %get3A_528 = arith.index_cast %get3A_527 : i32 to index
    %get3A_529 = arith.constant 0 : index
    %get3A_530 = vector.load %arg2[%get3A_528, %get3A_529] : memref<1000x128xf32, #tpu.memory_space<vmem>>, vector<1x128xf32>
    %broadcast_in_dim3A_531 = vector.shape_cast %get3A_530 : vector<1x128xf32> to vector<1x128xf32>
    %broadcast_in_dim3A_532 = vector.broadcast %broadcast_in_dim3A_531 : vector<1x128xf32> to vector<256x128xf32>
    %swap3A_533 = arith.constant 31 : index
    %swap3A_534 = arith.constant 0 : index
    %swap3A_535 = arith.constant 0 : index
    %swap3A_536 = vector.load %arg3[%swap3A_533, %swap3A_534, %swap3A_535] : memref<32x256x128xf32, #tpu.memory_space<vmem>>, vector<1x256x128xf32>
    %swap3A_537 = vector.shape_cast %swap3A_536 : vector<1x256x128xf32> to vector<256x128xf32>
    %swap3A_538 = vector.shape_cast %broadcast_in_dim3A_532 : vector<256x128xf32> to vector<1x256x128xf32>
    tpu.vector_store %arg3[%swap3A_533, %swap3A_534, %swap3A_535], %swap3A_538 {strides = array<i32>} : memref<32x256x128xf32, #tpu.memory_space<vmem>>, vector<1x256x128xf32>,
    return
  }
  func.func @transform_0(%arg0: i32) -> i32 {
    %c0_i32 = arith.constant 0 : i32
    %c0_i32_0 = arith.constant 0 : i32
    return %c0_i32 : i32
  }
  func.func @transform_1(%arg0: i32) -> (i32, i32) {
    %c0_i32 = arith.constant 0 : i32
    %c0_i32_0 = arith.constant 0 : i32
    %c0_i32_1 = arith.constant 0 : i32
    return %c0_i32, %c0_i32_0 : i32, i32
  }
  func.func @transform_2(%arg0: i32) -> (i32, i32, i32) {
    %c0_i32 = arith.constant 0 : i32
    %c0_i32_0 = arith.constant 0 : i32
    %c0_i32_1 = arith.constant 0 : i32
    return %arg0, %c0_i32, %c0_i32_0 : i32, i32, i32
  }
}

</mosaic_0001>

<sc_bundles>
// kernel: kernel.5.cloned.1.call-start
scs
__scs_entry_jumppad:
0x0: {  	(pc) =	sbr.rel $0x88, $3  }
0x1: {  	(tag) =	ssettag $0x0;
	lr =	simm.s32 $0x1  }
0x2: {  	[smem:$0x3F9F] =	sst lr;
	_ =	strace $0xD0000000  }
0x3: {  	_ = 	snop  }
0x4: {  	_ = 	snop  }
0x5: {  	_ = 	snop  }
0x6: {  	_ = 	snop  }
0x7: {  	_ = 	snop  }
__scs_overlays_trampoline_lowered:
0x8: {  	[smem:$0x3FAE] =	sst s0  }
0x9: {  	[smem:$0x3FAF] =	sst s1  }
0xa: {  	[smem:$0x3FB0] =	sst s2  }
0xb: {  	[smem:$0x3FB1] =	sst s3  }
0xc: {  	[smem:$0x3FB2] =	sst s4  }
0xd: {  	[smem:$0x3FB3] =	sst s5  }
0xe: {  	[smem:$0x3FB4] =	sst s6  }
0xf: {  	[smem:$0x3FB5] =	sst s7  }
0x10: {  	[smem:$0x3FB6] =	sst s8  }
0x11: {  	[smem:$0x3FB7] =	sst s9;
	s0 =	simm.s32 @!p0 $0x0  }
0x12: {  	s1 =	sld [smem:$0x3F9D];
	s0 =	simm.s32 @p0 $0x1  }
0x13: {  	[smem:$0x3FB8] =	sst s0;
	s0 =	simm.s32 @!p1 $0x0  }
0x14: {  	s2 =	sld [smem:$0x3F9C];
	s0 =	simm.s32 @p1 $0x1  }
0x15: {  	[smem:$0x3FB9] =	sst s0;
	s0 =	simm.s32 @!p2 $0x0  }
0x16: {  	s3 =	sld [smem:$0x3FDB];
	s0 =	simm.s32 @p2 $0x1  }
0x17: {  	s4 =	simm.s32 $0x1BF5;
	[smem:$0x3FBB] =	sst s0  }
0x18: {  	s0 =	sld [smem:$0x3F9E];
	_ =	swait.ge [sflag:s4], $0x0  }
0x19: {  	s7 =	sld [smem:$0x3F9F]  }
0x1a: {  	s8 =	sadd.s32 $0xFFFFE003, lr  }
0x1b: {  	s9 =	sadd.s32 $0xFFFFFEF7, lr;
	s5 =	simm.s32 $0xFFFFFFFF;
	p2 =	slt.u32 s8, $0xFFFFF086  }
0x1c: {  	p1 =	slt.u32 s9, $0xF7A;
	s5 =	simm.s32 @!p2 $0x0  }
0x1d: {  	s5 =	simm.s32 @p1 $0x1;
	p0 =	seq.s32 s7, s2  }
0x1e: {  	s7 =	smul.u32 @!p0 $0xF7A, s2;
	p2 =	seq.s32 @!p0 s5, $0x0  }
0x1f: {  	s9 =	smul.u32 $0xF7A, s1;
	s8 =	simm.s32 @!p0 $0x1BF5;
	p2 =	por !p2, p0  }
0x20: {  	[sflag:s8] =	ssyncset.s32 @!p0 $0xFFFFF086;
	s6 =	sadd.s32 @!p0 s3, s7;
	s7 =	simm.s32 @!p0 $0x108  }
0x21: {  	s3 =	sadd.s32 s3, s9;
	s6 =	sadd.s32 @!p0 $0x88, s6;
	s7 =	simm.s32 @p2 $0x1082  }
0x22: {  	[simem:s7], [sflag:s8] =	dma.local @!p0 [hbm:s6], $0xF7A  }
0x23: {  	s9 =	sor.u32 $0xD0000000, s2;
	s6 =	simm.s32 $0x108;
	_ =	swait.ge @!p0 [sflag:s8], $0x0  }
0x24: {  	s3 =	sadd.s32 $0x88, s3;
	s6 =	simm.s32 @!p1 $0x1082;
	[sflag:s4] =	ssyncset.s32 $0xFFFFF086  }
0x25: {  	[simem:s6], [sflag:s4] =	dma.local [hbm:s3], $0xF7A  }
0x26: {  	[smem:$0x3F9F] =	sst s1;
	(tag) =	ssettag s2;
	_ =	strace s9  }
0x27: {  	s1 =	sld [smem:$0x3FAF]  }
0x28: {  	s2 =	sld [smem:$0x3FB0]  }
0x29: {  	s4 =	sld [smem:$0x3FB2]  }
0x2a: {  	p0 =	seq.s32 s5, $0x0;
	s5 =	sld [smem:$0x3FB3]  }
0x2b: {  	s6 =	sld [smem:$0x3FB4]  }
0x2c: {  	s7 =	sld [smem:$0x3FB5]  }
0x2d: {  	s3 =	simm.s32 $0x108;
	s8 =	sld [smem:$0x3FB6]  }
0x2e: {  	s3 =	simm.s32 @!p0 $0x1082;
	s9 =	sld [smem:$0x3FB7]  }
0x2f: {  	lr =	sadd.s32 s0, s3;
	s0 =	sld [smem:$0x3FAE]  }
0x30: {  	s3 =	sld [smem:$0x3FB1]  }
0x31: {  	[smem:$0x3FBA] =	sst s10  }
0x32: {  	s10 =	sld [smem:$0x3FB8];
	_ =	sdelay $0x3  }
0x33: {  	p0 =	seq.s32 s10, $0x1;
	s10 =	sld [smem:$0x3FBA];
	_ =	sdelay $0x3  }
0x34: {  	[smem:$0x3FBA] =	sst s10  }
0x35: {  	s10 =	sld [smem:$0x3FB9];
	_ =	sdelay $0x3  }
0x36: {  	p1 =	seq.s32 s10, $0x1;
	s10 =	sld [smem:$0x3FBA];
	_ =	sdelay $0x3  }
0x37: {  	[smem:$0x3FBA] =	sst s10  }
0x38: {  	s10 =	sld [smem:$0x3FBB]  }
0x39: {  	_ = 	snop;
	(pc) =	sbr.ind lr, $3  }
0x3a: {  	_ = 	snop  }
0x3b: {  	_ = 	snop  }
0x3c: {  	p2 =	seq.s32 s10, $0x1;
	s10 =	sld [smem:$0x3FBA]  }
0x3d: {  	_ =	shalt  }
0x3e: {  	_ =	shalt  }
0x3f: {  	_ =	shalt  }
0x40: {  	_ =	shalt  }
0x41: {  	_ =	shalt  }
0x42: {  	_ =	shalt  }
0x43: {  	_ =	shalt  }
0x44: {  	_ =	shalt  }
0x45: {  	_ =	shalt  }
0x46: {  	_ =	shalt  }
0x47: {  	_ =	shalt  }
0x48: {  	_ =	shalt  }
0x49: {  	_ =	shalt  }
0x4a: {  	_ =	shalt  }
0x4b: {  	_ =	shalt  }
0x4c: {  	_ =	shalt  }
0x4d: {  	_ =	shalt  }
0x4e: {  	_ =	shalt  }
0x4f: {  	_ =	shalt  }
0x50: {  	_ =	shalt  }
0x51: {  	_ =	shalt  }
0x52: {  	_ =	shalt  }
0x53: {  	_ =	shalt  }
0x54: {  	_ =	shalt  }
0x55: {  	_ =	shalt  }
0x56: {  	_ =	shalt  }
0x57: {  	_ =	shalt  }
0x58: {  	_ =	shalt  }
0x59: {  	_ =	shalt  }
0x5a: {  	_ =	shalt  }
0x5b: {  	_ =	shalt  }
0x5c: {  	_ =	shalt  }
0x5d: {  	_ =	shalt  }
0x5e: {  	_ =	shalt  }
0x5f: {  	_ =	shalt  }
0x60: {  	_ =	shalt  }
0x61: {  	_ =	shalt  }
0x62: {  	_ =	shalt  }
0x63: {  	_ =	shalt  }
0x64: {  	_ =	shalt  }
0x65: {  	_ =	shalt  }
0x66: {  	_ =	shalt  }
0x67: {  	_ =	shalt  }
0x68: {  	_ =	shalt  }
0x69: {  	_ =	shalt  }
0x6a: {  	_ =	shalt  }
0x6b: {  	_ =	shalt  }
0x6c: {  	_ =	shalt  }
0x6d: {  	_ =	shalt  }
0x6e: {  	_ =	shalt  }
0x6f: {  	_ =	shalt  }
0x70: {  	_ =	shalt  }
0x71: {  	_ =	shalt  }
0x72: {  	_ =	shalt  }
0x73: {  	_ =	shalt  }
0x74: {  	_ =	shalt  }
0x75: {  	_ =	shalt  }
0x76: {  	_ =	shalt  }
0x77: {  	_ =	shalt  }
0x78: {  	_ =	shalt  }
0x79: {  	_ =	shalt  }
0x7a: {  	_ =	shalt  }
0x7b: {  	_ =	shalt  }
0x7c: {  	_ =	shalt  }
0x7d: {  	_ =	shalt  }
0x7e: {  	_ =	shalt  }
0x7f: {  	_ =	shalt  }
0x80: {  	_ =	shalt  }
0x81: {  	_ =	shalt  }
0x82: {  	_ =	shalt  }
0x83: {  	_ =	shalt  }
0x84: {  	_ =	shalt  }
0x85: {  	_ =	shalt  }
0x86: {  	_ =	shalt  }
0x87: {  	_ =	shalt  }
.Lfunc_end0:
.L_simem_size_0:
called_computation_lowered:
.L_overlay_start_0:
0x88: {  	s0 =	sld [smem:$0x3FD9]  }
0x89: {  	s1 =	sld [smem:$0x3FFE];
	_ =	sdelay $0x3  }
0x8a: {  	s0 =	sadd.s32 s1, s0  }
0x8b: {  	[smem:$0x3FC6] =	sst s0  }
0x8c: {  	_ = 	snop  }
0x8d: {  	s0 =	sld [smem:$0x3FC9]  }
0x8e: {  	s16 =	sld [smem:$0x3FC8];
	(tm) =	ssettm $0x1  }
0x8f: {  	s2 =	sld [smem:$0x3FFB];
	_ =	sdelay $0x3  }
0x90: {  	_ =	strace s2  }
0x91: {  	s2 =	sld [smem:$0x3FFC];
	_ =	sdelay $0x3  }
0x92: {  	_ =	strace s2  }
0x93: {  	s2 =	sld [smem:$0x3FFD];
	_ =	sdelay $0x3  }
0x94: {  	_ =	strace s2  }
0x95: {  	_ =	strace $0x8FFFFFFF  }
0x96: {  	s17 =	sld [smem:$0x3FDB];
	_ =	sdelay $0x1  }
0x97: {  	s3 =	simm.s32 $_scs_section_size  }
0x98: {  	s4 =	simm.s32 $_size__tile_overlayer_lowered;
	s5 =	simm.s32 $_tile_overlayer_lowered  }
0x99: {  	s20 =	simm.s32 $0x1BFF;
	s19 =	sshll.u32 s5, $0x1;
	s2 =	sadd.s32 s3, s17  }
0x9a: {  	s6 =	simm.s32 $0x0;
	s18 =	sshll.u32 s4, $0x1;
	s4 =	sadd.s32 s19, s2  }
0x9b: {  	[timem:s6], [sflag:s20] =	dma.local [hbm:s4], s18  }
0x9c: {  	_ =	swait.ge [sflag:s20], s18  }
0x9d: {  	s3 =	ssub.s32 $0x0, s18;
	[sflag:s20] =	ssyncset.done $0x0  }
0x9e: {  	[sflag:s20] =	ssyncadd.s32 s3;
	_ =	sdelay $0x1  }
0x9f: {  	s21 =	simm.s32 $0x1B8B  }
0xa0: {  	_ =	swait.ge [sflag:s21], $0x1  }
0xa1: {  	[sflag:s21] =	ssyncset.done $0x0  }
0xa2: {  	s23 =	simm.s32 $0x1B8E;
	s22 =	sld [smem:$0x3FFE];
	[sflag:s21] =	ssyncadd.s32 $0xFFFFFFFF  }
0xa3: {  	s24 =	simm.s32 $execute0_lowered;
	[smem:$0x3FD2] =	sst s23  }
0xa4: {  	s4 =	sshll.u32 s24, $0x1;
	_ =	strace $0x80000046;
	[dreg:$0x1] =	wrdreg $0xFFFFFFFF  }
0xa5: {  	s25 =	simm.s32 $_size_execute0_lowered;
	s2 =	sadd.s32 s2, s4;
	[dreg:$0x0] =	wrdreg $0x0  }
0xa6: {  	s4 =	sshll.u32 s25, $0x1;
	[dreg:$0x2] =	wrdreg s2  }
0xa7: {  	[dreg:$0x3] =	wrdreg s4  }
0xa8: {  	[dreg:$0x4] =	wrdreg $0xC0  }
0xa9: {  	_ =	task [dreg:s6], $0x5FFFF  }
0xaa: {  	[dreg:$0x1] =	wrdreg $0xFFFFFFFF  }
0xab: {  	[dreg:$0x0] =	wrdreg $0x60  }
0xac: {  	[dreg:$0x2] =	wrdreg s16  }
0xad: {  	[dreg:$0x3] =	wrdreg s0  }
0xae: {  	[dreg:$0x4] =	wrdreg s22  }
0xaf: {  	[dreg:$0x5] =	wrdreg $0x9  }
0xb0: {  	_ =	task.clear_ibuf [dreg:s6], $0x6FFFF;
	_ =	strace $0x90000046  }
0xb1: {  	s26 =	simm.s32 $0x9;
	_ =	strace $0x80000048  }
0xb2: {  	_ =	swait.ge [sflag:s26], $0x1  }
0xb3: {  	[sflag:s26] =	ssyncadd.s32 $0xFFFFFFFF  }
0xb4: {  	_ =	strace $0x90000048  }
0xb5: {  	_ =	sfence  }
0xb6: {  	s28 =	sld [smem:$0x0];
	_ =	sdelay $0x1  }
0xb7: {  	s29 =	srdreg.scid  }
0xb8: {  	s30 =	sshll.u32 s29, $0xD;
	s31 =	sshrl.u32 s29, $0x2  }
0xb9: {  	s1 =	sand.u32 $0x1, s29;
	s2 =	sand.u32 $0x4000, s30;
	s0 =	sadd.s32 s31, s28  }
0xba: {  	s1 =	sor.u32 s2, s1;
	s0 =	sshll.u32 s0, $0x11  }
0xbb: {  	s0 =	sor.u32 s0, s1  }
0xbc: {  	s0 =	sadd.s32 $0x8F2B, s0  }
0xbd: {  	[sflag:s0] =	ssyncadd.remote.s32 $0x1  }
0xbe: {  	_ =	sfence.sel $0xFFFF  }
0xbf: {  	[dreg:$0x0] =	wrdreg $0xFFFFFFFF;
	(pc) =	sbr.abs _section_cstart, $3  }
0xc0: {  	[dreg:$0x1] =	wrdreg $0xFFFFFFFF  }
0xc1: {  	_ =	task.clear_ibuf [dreg:s6], $0x2FFFF;
	_ =	strace $0x9FFFFFFF  }
0xc2: {  	(tm) =	ssettm $0x7FFFFFFF  }
0xc3: {  	_ =	shalt  }
tec
execute0_lowered:
.L_overlay_start_1:
0x0: {  	(tag) =	ssettag $0x1  }
0x1: {  	s0 =	rddreg [dreg:$0x0];
	s1 =	stileid.u32  }
0x2: {  	s2 =	rddreg [dreg:$0x1];
	s3 =	smul.u32 $0x30, s1  }
0x3: {  	s4 =	rddreg [dreg:$0x2]  }
0x4: {  	s5 =	rddreg [dreg:$0x3];
	s6 =	simm.s32 $0x0;
	s3 =	sshrl.u32 s3, $0x3  }
0x5: {  	[smem:$0x7FF] =	sst s6;
	s2 =	sadd.s32 s2, s3  }
0x6: {  	s28 =	simm.s32 $0x2;
	_ =	strace $0x80000047;
	s2 =	sadd.s32 $0x20, s2  }
0x7: {  	[tilespmem:s6], [sflag:$0x2] =	stream.linear.gather [hbm4b:s2+s6], $0x30, $0x38;
	[tilespmem:$0x1880] =	vst v63  }
0x8: {  	_ =	swait.ge [sflag:s28], $0x30  }
0x9: {  	s29 =	simm.s32 $0x30;
	s7 =	simm.s32 $0x80;
	[sflag:s28] =	ssyncset.done $0x0  }
0xa: {  	s31 =	simm.s32 $0x1;
	s30 =	smul.u32 $0x300, s1;
	[sflag:s28] =	ssyncadd.s32 $0xFFFFFFD0  }
0xb: {  	[tilespmem:s7], [sflag:$0x1] =	stream.indirect.gather [hbm4b:s0+s29], $0x80, s6, s29, $0xb8;
	[tilespmem:$0x1880] =	vst v63  }
0xc: {  	_ =	swait.ge [sflag:s31], $0x1800  }
0xd: {  	s0 =	sadd.s32 s30, s4;
	[sflag:s31] =	ssyncset.done $0x0  }
0xe: {  	s0 =	sadd.s32 $0xA00, s0;
	[sflag:s31] =	ssyncadd.s32 $0xFFFFE800  }
0xf: {  	[hbm4b:s0+s6] =	stream.linear.scatter [tilespmem:s7], [sflag:$0x2], $0x1800, $0x38;
	[tilespmem:$0x1880] =	vst v63  }
0x10: {  	_ =	swait.ge [sflag:s28], $0x1800  }
0x11: {  	[sflag:s28] =	ssyncset.done $0x0  }
0x12: {  	[sflag:s28] =	ssyncadd.s32 $0xFFFFE800  }
0x13: {  	_ =	sfence.sel $0x180000  }
0x14: {  	[bflag:$0x0] =	sbarrier.arrive $0xFFFF  }
0x15: {  	p0 =	sne.s32 s1, $0x0;
	_ =	strace $0x90000047  }
0x16: {  	s0 =	sadd.s32 @!p0 $0x100000, s5;
	[bflag:$0x2] =	sbarrier.arrive $0xFFFF  }
0x17: {  	[sflag:s0] =	ssyncadd.tile.s32 @!p0 $0x1;
	_ =	shalt  }
.Lfunc_end2:
_tile_overlayer_lowered:
.L_overlay_start_2:
0x18: {  	(tag) =	ssettag $0x2  }
0x19: {  	s0 =	rddreg [dreg:$0x0];
	s2 =	stileid.u32  }
0x1a: {  	s1 =	rddreg [dreg:$0x1];
	p0 =	sne.s32 s2, $0x0  }
0x1b: {  	s3 =	rddreg [dreg:$0x2];
	[bflag:$0x3] =	sbarrier.arrive $0xFFFF;
	s2 =	simm.s32 @!p0 $0x1C02  }
0x1c: {  	[timem:s3], [sflag:s2] =	dma.local @!p0 [hbm:s0], s1  }
0x1d: {  	s0 =	simm.s32 @!p0 $0x2  }
0x1e: {  	_ =	swait.ge @!p0 [sflag:s0], s1  }
0x1f: {  	s1 =	ssub.s32 @!p0 $0x0, s1;
	[sflag:s0] =	ssyncset.done @!p0 $0x0  }
0x20: {  	[sflag:s0] =	ssyncadd.s32 @!p0 s1  }
0x21: {  	[bflag:$0x3] =	sbarrier.arrive $0xFFFF  }
0x22: {  	_ =	shalt  }

</sc_bundles>
